<compile_context>
chip_gen: v7x
topology: tpu7x:2x2x1
jax: 0.10.2.dev20260603
libtpu: 0.0.44.dev20260713+nightly
codegen_flags: <defaults>
</compile_context>

<pallas_src>
import functools

import jax
import jax.numpy as jnp
from jax import lax
from jax.experimental import pallas as pl
from jax.experimental.pallas import tpu as pltpu
from jax.experimental.pallas import tpu_sc as plsc

D_MODEL = 128


def _build_sc_gather(V, E, B, S):
    info = plsc.get_sparse_core_info()
    NC, NS = info.num_cores, info.num_subcores
    NW = NC * NS
    n_groups = NW // S
    assert B % (8 * n_groups) == 0
    b_per_g = B // n_groups
    mesh = plsc.VectorSubcoreMesh(core_axis_name="c", subcore_axis_name="s")

    @functools.partial(
        pl.kernel,
        out_type=jax.ShapeDtypeStruct((B, S * E), jnp.float32),
        mesh=mesh,
        compiler_params=pltpu.CompilerParams(
            use_tc_tiling_on_sc=False, needs_layout_passes=False
        ),
        scratch_types=[
            pltpu.VMEM((b_per_g,), jnp.int32),
            pltpu.VMEM((b_per_g, E), jnp.float32),
            pltpu.SemaphoreType.DMA,
        ],
    )
    def gather_kernel(
        table_hbm, i0_hbm, i1_hbm, i2_hbm, i3_hbm, out_hbm, idx_v, rows_v, sem
    ):
        wid = lax.axis_index("s") * NC + lax.axis_index("c")
        s = wid % S
        base = (wid // S) * b_per_g
        idx_refs = [i0_hbm, i1_hbm, i2_hbm, i3_hbm]
        for si in range(S):
            @pl.when(s == si)
            def _():
                pltpu.sync_copy(idx_refs[si].at[pl.ds(base, b_per_g)], idx_v)
        pltpu.async_copy(table_hbm.at[idx_v], rows_v, sem).wait()
        pltpu.sync_copy(
            rows_v, out_hbm.at[pl.ds(base, b_per_g), pl.ds(s * E, E)]
        )

    return gather_kernel


def _mm_body(e_ref, w_ref, b_ref, o_ref):
    o_ref[...] = lax.dot_general(
        e_ref[...], w_ref[...],
        dimension_numbers=(((1,), (1,)), ((), ())),
        preferred_element_type=jnp.float32,
    ) + b_ref[...]


def _tc_project(e, W, b2d, block_m):
    B = e.shape[0]
    return pl.pallas_call(
        _mm_body,
        out_shape=jax.ShapeDtypeStruct((B, D_MODEL), jnp.float32),
        grid=(B // block_m,),
        in_specs=[
            pl.BlockSpec((block_m, D_MODEL), lambda i: (i, 0)),
            pl.BlockSpec((D_MODEL, D_MODEL), lambda i: (0, 0)),
            pl.BlockSpec((1, D_MODEL), lambda i: (0, 0)),
        ],
        out_specs=pl.BlockSpec((block_m, D_MODEL), lambda i: (i, 0)),
    )(e, W, b2d)


def kernel(ctrl_tokens, embed_table, W, b):
    B, S = ctrl_tokens.shape
    V, E = embed_table.shape
    idx = ctrl_tokens.astype(jnp.int32)
    cols = [idx[:, s] for s in range(S)]
    e = _build_sc_gather(V, E, B, S)(embed_table, *cols)
    out = _tc_project(e, W, b.reshape(1, D_MODEL), 2048)
    return out[..., None]

# --- scband reference (transcript-rebuilt; emitter-appended) ---
"""Pipeline reference for scband-control-encoder-13984413515785 (READ-ONLY COPY).

The authoritative reference and input builder live on the scoring server;
editing this copy changes nothing except your own understanding.
"""

import jax, jax.numpy as jnp
import numpy as np

VOCAB = 100000
D_MODEL = 128
EMBED_DIM = D_MODEL // 4
BATCH = 16384
SEQ = 4  # d_model / embed_dim


def setup_inputs(seed: int = 0) -> dict:
    key = jax.random.key(seed)
    k1, k2, k3, k4 = jax.random.split(key, 4)
    ctrl_tokens = jax.random.randint(k1, (BATCH, SEQ), 0, VOCAB, dtype=jnp.int64 if jax.config.jax_enable_x64 else jnp.int32)
    embed_table = jax.random.normal(k2, (VOCAB, EMBED_DIM), dtype=jnp.float32)
    W = jax.random.normal(k3, (D_MODEL, D_MODEL), dtype=jnp.float32) * (1.0 / np.sqrt(D_MODEL))
    b = jax.random.normal(k4, (D_MODEL,), dtype=jnp.float32) * 0.01
    return {"ctrl_tokens": ctrl_tokens, "embed_table": embed_table, "W": W, "b": b}


def reference(ctrl_tokens, embed_table, W, b):
    # squeeze(1) branch only applies for 3-d token input; here tokens are [B, 4]
    e = jnp.take(embed_table, ctrl_tokens, axis=0)          # [B, 4, d_model//4]
    e = e.reshape(e.shape[0], D_MODEL)                       # [B, d_model]
    out = e @ W.T + b                                        # nn.Linear: x @ W.T + b
    return out[..., None]                                    # unsqueeze(-1) -> [B, d_model, 1]

if __name__ == "__main__":
    import jax
    _d = setup_inputs()
    print(jax.jit(kernel)(*tuple(_d.values())))

</pallas_src>

<mosaic_0001>
#map = affine_map<(d0, d1) -> (0, 0)>
#map1 = affine_map<(d0, d1) -> (0)>
module attributes {stable_mosaic.version = 14 : i64} {
  func.func @gather_kernel(%arg0: i32, %arg1: i32, %arg2: memref<100000x32xf32, #tpu.memory_space<hbm>>, %arg3: memref<16384xi32, #tpu.memory_space<hbm>>, %arg4: memref<16384xi32, #tpu.memory_space<hbm>>, %arg5: memref<16384xi32, #tpu.memory_space<hbm>>, %arg6: memref<16384xi32, #tpu.memory_space<hbm>>, %arg7: memref<16384x128xf32, #tpu.memory_space<hbm>>, %arg8: memref<2048xi32, #tpu.memory_space<vmem>>, %arg9: memref<2048x32xf32, #tpu.memory_space<vmem>>, %arg10: memref<!tpu.dma_semaphore, #tpu.memory_space<semaphore_mem>>) attributes {dimension_semantics = [#tpu.dimension_semantics<core_parallel>, #tpu.dimension_semantics<subcore_parallel>], iteration_bounds = array<i64: 2, 16>, scalar_prefetch = 0 : i64, scratch_operands = 3 : i64, tpu.core_type = #tpu.core_type<sc_vector_subcore>, window_params = [{transform_indices = #map}, {transform_indices = #map1}, {transform_indices = #map1}, {transform_indices = #map1}, {transform_indices = #map1}, {transform_indices = #map}]} {
    %mul3A = arith.constant 2 : i32
    %mul3A_0 = arith.muli %arg1, %mul3A : i32
    %add3A = arith.addi %mul3A_0, %arg0 : i32
    %jit3A = arith.constant 4 : i32
    %eq3A = arith.constant 0 : i32
    %eq3A_1 = arith.cmpi eq, %jit3A, %eq3A : i32
    %jit3A_2 = arith.constant 1 : i32
    %select_n3A = arith.select %eq3A_1, %jit3A_2, %jit3A : i32
    %rem3A = arith.remsi %add3A, %select_n3A : i32
    %ne3A = arith.constant 0 : i32
    %ne3A_3 = arith.cmpi ne, %rem3A, %ne3A : i32
    %lt3A = arith.constant 0 : i32
    %lt3A_4 = arith.cmpi slt, %rem3A, %lt3A : i32
    %lt3A_5 = arith.constant 0 : i32
    %lt3A_6 = arith.cmpi slt, %select_n3A, %lt3A_5 : i32
    %ne3A_7 = arith.xori %lt3A_4, %lt3A_6 : i1
    %and3A = arith.andi %ne3A_7, %ne3A_3 : i1
    %add3A_8 = arith.addi %rem3A, %select_n3A : i32
    %select_n3A_9 = arith.select %and3A, %add3A_8, %rem3A : i32
    %jit3A_10 = arith.constant 4 : i32
    %div3A = arith.divsi %add3A, %jit3A_10 : i32
    %sign3A = arith.constant 0 : i32
    %sign3A_11 = arith.cmpi sgt, %add3A, %sign3A : i32
    %sign3A_12 = arith.extui %sign3A_11 : i1 to i32
    %sign3A_13 = arith.constant 0 : i32
    %sign3A_14 = arith.cmpi slt, %add3A, %sign3A_13 : i32
    %sign3A_15 = arith.extui %sign3A_14 : i1 to i32
    %sign3A_16 = arith.subi %sign3A_12, %sign3A_15 : i32
    %sign3A_17 = arith.constant 0 : i32
    %sign3A_18 = arith.cmpi sgt, %jit3A_10, %sign3A_17 : i32
    %sign3A_19 = arith.extui %sign3A_18 : i1 to i32
    %sign3A_20 = arith.constant 0 : i32
    %sign3A_21 = arith.cmpi slt, %jit3A_10, %sign3A_20 : i32
    %sign3A_22 = arith.extui %sign3A_21 : i1 to i32
    %sign3A_23 = arith.subi %sign3A_19, %sign3A_22 : i32
    %ne3A_24 = arith.cmpi ne, %sign3A_16, %sign3A_23 : i32
    %rem3A_25 = arith.remsi %add3A, %jit3A_10 : i32
    %ne3A_26 = arith.constant 0 : i32
    %ne3A_27 = arith.cmpi ne, %rem3A_25, %ne3A_26 : i32
    %and3A_28 = arith.andi %ne3A_24, %ne3A_27 : i1
    %sub3A = arith.constant 1 : i32
    %sub3A_29 = arith.subi %div3A, %sub3A : i32
    %select_n3A_30 = arith.select %and3A_28, %sub3A_29, %div3A : i32
    %mul3A_31 = arith.constant 2048 : i32
    %mul3A_32 = arith.muli %select_n3A_30, %mul3A_31 : i32
    %eq3A_33 = arith.constant 0 : i32
    %eq3A_34 = arith.cmpi eq, %select_n3A_9, %eq3A_33 : i32
    %convert_element_type3A = arith.extui %eq3A_34 : i1 to i32
    %cond3A = arith.constant 0 : i32
    %cond3A_35 = arith.cmpi ne, %convert_element_type3A, %cond3A : i32
    scf.if %cond3A_35 {
      "tpu.region"() ({
        %run_scoped3A = tpu.sem_alloc : memref<!tpu.dma_semaphore, #tpu.memory_space<semaphore_mem>>
        %dma_start3A_57 = tpu.memref_slice %arg3[%mul3A_32] : memref<16384xi32, #tpu.memory_space<hbm>> -> memref<2048xi32, #tpu.memory_space<hbm>>
        %dma_start3A_58 = tpu.memref_slice %arg3[%mul3A_32] : memref<16384xi32, #tpu.memory_space<hbm>> -> memref<2048xi32, #tpu.memory_space<hbm>>
        tpu.enqueue_dma source(%dma_start3A_58 : memref<2048xi32, #tpu.memory_space<hbm>>) target(%arg8 : memref<2048xi32, #tpu.memory_space<vmem>>) target_semaphore(%run_scoped3A : memref<!tpu.dma_semaphore, #tpu.memory_space<semaphore_mem>>)
        %dma_wait3A_59 = tpu.memref_slice %arg3[%mul3A_32] : memref<16384xi32, #tpu.memory_space<hbm>> -> memref<2048xi32, #tpu.memory_space<hbm>>
        %dma_wait3A_60 = tpu.memref_slice %arg3[%mul3A_32] : memref<16384xi32, #tpu.memory_space<hbm>> -> memref<2048xi32, #tpu.memory_space<hbm>>
        tpu.wait_dma2 semaphore(%run_scoped3A : memref<!tpu.dma_semaphore, #tpu.memory_space<semaphore_mem>>) src(%dma_wait3A_60 : memref<2048xi32, #tpu.memory_space<hbm>>) dst(%arg8 : memref<2048xi32, #tpu.memory_space<vmem>>)
        tpu.yield
      }) : () -> ()
    } else {
    }
    %eq3A_36 = arith.constant 1 : i32
    %eq3A_37 = arith.cmpi eq, %select_n3A_9, %eq3A_36 : i32
    %convert_element_type3A_38 = arith.extui %eq3A_37 : i1 to i32
    %cond3A_39 = arith.constant 0 : i32
    %cond3A_40 = arith.cmpi ne, %convert_element_type3A_38, %cond3A_39 : i32
    scf.if %cond3A_40 {
      "tpu.region"() ({
        %run_scoped3A = tpu.sem_alloc : memref<!tpu.dma_semaphore, #tpu.memory_space<semaphore_mem>>
        %dma_start3A_57 = tpu.memref_slice %arg4[%mul3A_32] : memref<16384xi32, #tpu.memory_space<hbm>> -> memref<2048xi32, #tpu.memory_space<hbm>>
        %dma_start3A_58 = tpu.memref_slice %arg4[%mul3A_32] : memref<16384xi32, #tpu.memory_space<hbm>> -> memref<2048xi32, #tpu.memory_space<hbm>>
        tpu.enqueue_dma source(%dma_start3A_58 : memref<2048xi32, #tpu.memory_space<hbm>>) target(%arg8 : memref<2048xi32, #tpu.memory_space<vmem>>) target_semaphore(%run_scoped3A : memref<!tpu.dma_semaphore, #tpu.memory_space<semaphore_mem>>)
        %dma_wait3A_59 = tpu.memref_slice %arg4[%mul3A_32] : memref<16384xi32, #tpu.memory_space<hbm>> -> memref<2048xi32, #tpu.memory_space<hbm>>
        %dma_wait3A_60 = tpu.memref_slice %arg4[%mul3A_32] : memref<16384xi32, #tpu.memory_space<hbm>> -> memref<2048xi32, #tpu.memory_space<hbm>>
        tpu.wait_dma2 semaphore(%run_scoped3A : memref<!tpu.dma_semaphore, #tpu.memory_space<semaphore_mem>>) src(%dma_wait3A_60 : memref<2048xi32, #tpu.memory_space<hbm>>) dst(%arg8 : memref<2048xi32, #tpu.memory_space<vmem>>)
        tpu.yield
      }) : () -> ()
    } else {
    }
    %eq3A_41 = arith.constant 2 : i32
    %eq3A_42 = arith.cmpi eq, %select_n3A_9, %eq3A_41 : i32
    %convert_element_type3A_43 = arith.extui %eq3A_42 : i1 to i32
    %cond3A_44 = arith.constant 0 : i32
    %cond3A_45 = arith.cmpi ne, %convert_element_type3A_43, %cond3A_44 : i32
    scf.if %cond3A_45 {
      "tpu.region"() ({
        %run_scoped3A = tpu.sem_alloc : memref<!tpu.dma_semaphore, #tpu.memory_space<semaphore_mem>>
        %dma_start3A_57 = tpu.memref_slice %arg5[%mul3A_32] : memref<16384xi32, #tpu.memory_space<hbm>> -> memref<2048xi32, #tpu.memory_space<hbm>>
        %dma_start3A_58 = tpu.memref_slice %arg5[%mul3A_32] : memref<16384xi32, #tpu.memory_space<hbm>> -> memref<2048xi32, #tpu.memory_space<hbm>>
        tpu.enqueue_dma source(%dma_start3A_58 : memref<2048xi32, #tpu.memory_space<hbm>>) target(%arg8 : memref<2048xi32, #tpu.memory_space<vmem>>) target_semaphore(%run_scoped3A : memref<!tpu.dma_semaphore, #tpu.memory_space<semaphore_mem>>)
        %dma_wait3A_59 = tpu.memref_slice %arg5[%mul3A_32] : memref<16384xi32, #tpu.memory_space<hbm>> -> memref<2048xi32, #tpu.memory_space<hbm>>
        %dma_wait3A_60 = tpu.memref_slice %arg5[%mul3A_32] : memref<16384xi32, #tpu.memory_space<hbm>> -> memref<2048xi32, #tpu.memory_space<hbm>>
        tpu.wait_dma2 semaphore(%run_scoped3A : memref<!tpu.dma_semaphore, #tpu.memory_space<semaphore_mem>>) src(%dma_wait3A_60 : memref<2048xi32, #tpu.memory_space<hbm>>) dst(%arg8 : memref<2048xi32, #tpu.memory_space<vmem>>)
        tpu.yield
      }) : () -> ()
    } else {
    }
    %eq3A_46 = arith.constant 3 : i32
    %eq3A_47 = arith.cmpi eq, %select_n3A_9, %eq3A_46 : i32
    %convert_element_type3A_48 = arith.extui %eq3A_47 : i1 to i32
    %cond3A_49 = arith.constant 0 : i32
    %cond3A_50 = arith.cmpi ne, %convert_element_type3A_48, %cond3A_49 : i32
    scf.if %cond3A_50 {
      "tpu.region"() ({
        %run_scoped3A = tpu.sem_alloc : memref<!tpu.dma_semaphore, #tpu.memory_space<semaphore_mem>>
        %dma_start3A_57 = tpu.memref_slice %arg6[%mul3A_32] : memref<16384xi32, #tpu.memory_space<hbm>> -> memref<2048xi32, #tpu.memory_space<hbm>>
        %dma_start3A_58 = tpu.memref_slice %arg6[%mul3A_32] : memref<16384xi32, #tpu.memory_space<hbm>> -> memref<2048xi32, #tpu.memory_space<hbm>>
        tpu.enqueue_dma source(%dma_start3A_58 : memref<2048xi32, #tpu.memory_space<hbm>>) target(%arg8 : memref<2048xi32, #tpu.memory_space<vmem>>) target_semaphore(%run_scoped3A : memref<!tpu.dma_semaphore, #tpu.memory_space<semaphore_mem>>)
        %dma_wait3A_59 = tpu.memref_slice %arg6[%mul3A_32] : memref<16384xi32, #tpu.memory_space<hbm>> -> memref<2048xi32, #tpu.memory_space<hbm>>
        %dma_wait3A_60 = tpu.memref_slice %arg6[%mul3A_32] : memref<16384xi32, #tpu.memory_space<hbm>> -> memref<2048xi32, #tpu.memory_space<hbm>>
        tpu.wait_dma2 semaphore(%run_scoped3A : memref<!tpu.dma_semaphore, #tpu.memory_space<semaphore_mem>>) src(%dma_wait3A_60 : memref<2048xi32, #tpu.memory_space<hbm>>) dst(%arg8 : memref<2048xi32, #tpu.memory_space<vmem>>)
        tpu.yield
      }) : () -> ()
    } else {
    }
    %dma_start3A = arith.constant 0 : i32
    %dma_start3A_51 = arith.constant 0 : i32
    %dma_start3A_52 = tpu.memref_slice %arg2[%dma_start3A, %dma_start3A_51] : memref<100000x32xf32, #tpu.memory_space<hbm>> -> memref<100000x32xf32, #tpu.memory_space<hbm>>
    tpu.enqueue_indirect_dma source(%dma_start3A_52 : memref<100000x32xf32, #tpu.memory_space<hbm>>) target(%arg9 : memref<2048x32xf32, #tpu.memory_space<vmem>>) offsets(%arg8 : memref<2048xi32, #tpu.memory_space<vmem>>) semaphore(%arg10 : memref<!tpu.dma_semaphore, #tpu.memory_space<semaphore_mem>>)
    %dma_wait3A = arith.constant 0 : i32
    %dma_wait3A_53 = arith.constant 0 : i32
    %dma_wait3A_54 = tpu.memref_slice %arg2[%dma_wait3A, %dma_wait3A_53] : memref<100000x32xf32, #tpu.memory_space<hbm>> -> memref<100000x32xf32, #tpu.memory_space<hbm>>
    tpu.wait_indirect_dma semaphore(%arg10 : memref<!tpu.dma_semaphore, #tpu.memory_space<semaphore_mem>>) src(%dma_wait3A_54 : memref<100000x32xf32, #tpu.memory_space<hbm>>) dst(%arg9 : memref<2048x32xf32, #tpu.memory_space<vmem>>)
    %mul3A_55 = arith.constant 32 : i32
    %mul3A_56 = arith.muli %select_n3A_9, %mul3A_55 : i32
    "tpu.region"() ({
      %run_scoped3A = tpu.sem_alloc : memref<!tpu.dma_semaphore, #tpu.memory_space<semaphore_mem>>
      %dma_start3A_57 = tpu.memref_slice %arg7[%mul3A_32, %mul3A_56] : memref<16384x128xf32, #tpu.memory_space<hbm>> -> memref<2048x32xf32, #tpu.memory_space<hbm>>
      %dma_start3A_58 = tpu.memref_slice %arg7[%mul3A_32, %mul3A_56] : memref<16384x128xf32, #tpu.memory_space<hbm>> -> memref<2048x32xf32, #tpu.memory_space<hbm>>
      tpu.enqueue_dma source(%arg9 : memref<2048x32xf32, #tpu.memory_space<vmem>>) target(%dma_start3A_58 : memref<2048x32xf32, #tpu.memory_space<hbm>>) target_semaphore(%run_scoped3A : memref<!tpu.dma_semaphore, #tpu.memory_space<semaphore_mem>>)
      %dma_wait3A_59 = tpu.memref_slice %arg7[%mul3A_32, %mul3A_56] : memref<16384x128xf32, #tpu.memory_space<hbm>> -> memref<2048x32xf32, #tpu.memory_space<hbm>>
      %dma_wait3A_60 = tpu.memref_slice %arg7[%mul3A_32, %mul3A_56] : memref<16384x128xf32, #tpu.memory_space<hbm>> -> memref<2048x32xf32, #tpu.memory_space<hbm>>
      tpu.wait_dma2 semaphore(%run_scoped3A : memref<!tpu.dma_semaphore, #tpu.memory_space<semaphore_mem>>) src(%arg9 : memref<2048x32xf32, #tpu.memory_space<vmem>>) dst(%dma_wait3A_60 : memref<2048x32xf32, #tpu.memory_space<hbm>>)
      tpu.yield
    }) : () -> ()
    return
  }
}

module attributes {stable_mosaic.version = 14 : i64} {
  func.func @_mm_body(%arg0: i32, %arg1: memref<2048x128xf32, #tpu.memory_space<vmem>>, %arg2: memref<128x128xf32, #tpu.memory_space<vmem>>, %arg3: memref<1x128xf32, #tpu.memory_space<vmem>>, %arg4: memref<2048x128xf32, #tpu.memory_space<vmem>>) attributes {dimension_semantics = [#tpu.dimension_semantics<arbitrary>], iteration_bounds = array<i64: 8>, scalar_prefetch = 0 : i64, scratch_operands = 0 : i64, tpu.core_type = #tpu.core_type<tc>, window_params = [{transform_indices = @transform_0, window_bounds = array<i64: 2048, 128>}, {pipeline_mode = #tpu.pipeline_mode<synchronous>, transform_indices = @transform_1, window_bounds = array<i64: 128, 128>}, {pipeline_mode = #tpu.pipeline_mode<synchronous>, transform_indices = @transform_2, window_bounds = array<i64: 1, 128>}, {transform_indices = @transform_3, window_bounds = array<i64: 2048, 128>}]} {
    %get3A = arith.constant 0 : index
    %get3A_0 = arith.constant 0 : index
    %get3A_1 = vector.load %arg1[%get3A, %get3A_0] : memref<2048x128xf32, #tpu.memory_space<vmem>>, vector<2048x128xf32>
    %get3A_2 = arith.constant 0 : index
    %get3A_3 = arith.constant 0 : index
    %get3A_4 = vector.load %arg2[%get3A_2, %get3A_3] : memref<128x128xf32, #tpu.memory_space<vmem>>, vector<128x128xf32>
    %dot_general3A = arith.constant dense<0.000000e+00> : vector<2048x128xf32>
    %dot_general3A_5 = tpu.matmul %get3A_1, %get3A_4, %dot_general3A {dimension_numbers = #tpu.dot_dimension_numbers<[1], [1], [0], [0], [0, 0, 1, 0], [], []>, transpose_lhs_hint = false} : vector<2048x128xf32>, vector<128x128xf32>, vector<2048x128xf32> -> vector<2048x128xf32>
    %get3A_6 = arith.constant 0 : index
    %get3A_7 = arith.constant 0 : index
    %get3A_8 = vector.load %arg3[%get3A_6, %get3A_7] : memref<1x128xf32, #tpu.memory_space<vmem>>, vector<1x128xf32>
    %add3A = vector.broadcast %get3A_8 : vector<1x128xf32> to vector<2048x128xf32>
    %add3A_9 = arith.addf %dot_general3A_5, %add3A : vector<2048x128xf32>
    %swap3A = arith.constant 0 : index
    %swap3A_10 = arith.constant 0 : index
    %swap3A_11 = vector.load %arg4[%swap3A, %swap3A_10] : memref<2048x128xf32, #tpu.memory_space<vmem>>, vector<2048x128xf32>
    tpu.vector_store %arg4[%swap3A, %swap3A_10], %add3A_9 {strides = array<i32>} : memref<2048x128xf32, #tpu.memory_space<vmem>>, vector<2048x128xf32>,
    return
  }
  func.func @transform_0(%arg0: i32) -> (i32, i32) {
    %c0_i32 = arith.constant 0 : i32
    %c0_i32_0 = arith.constant 0 : i32
    return %arg0, %c0_i32 : i32, i32
  }
  func.func @transform_1(%arg0: i32) -> (i32, i32) {
    %c0_i32 = arith.constant 0 : i32
    %c0_i32_0 = arith.constant 0 : i32
    %c0_i32_1 = arith.constant 0 : i32
    return %c0_i32, %c0_i32_0 : i32, i32
  }
  func.func @transform_2(%arg0: i32) -> (i32, i32) {
    %c0_i32 = arith.constant 0 : i32
    %c0_i32_0 = arith.constant 0 : i32
    %c0_i32_1 = arith.constant 0 : i32
    return %c0_i32, %c0_i32_0 : i32, i32
  }
  func.func @transform_3(%arg0: i32) -> (i32, i32) {
    %c0_i32 = arith.constant 0 : i32
    %c0_i32_0 = arith.constant 0 : i32
    return %arg0, %c0_i32 : i32, i32
  }
}

</mosaic_0001>

<sc_bundles>
// kernel: kernel.4.cloned.1.call-start
scs
__scs_entry_jumppad:
0x0: {  	(pc) =	sbr.rel $0x88, $3  }
0x1: {  	(tag) =	ssettag $0x0;
	lr =	simm.s32 $0x1  }
0x2: {  	[smem:$0x3F9D] =	sst lr;
	_ =	strace $0xD0000000  }
0x3: {  	_ = 	snop  }
0x4: {  	_ = 	snop  }
0x5: {  	_ = 	snop  }
0x6: {  	_ = 	snop  }
0x7: {  	_ = 	snop  }
__scs_overlays_trampoline_lowered:
0x8: {  	[smem:$0x3FAC] =	sst s0  }
0x9: {  	[smem:$0x3FAD] =	sst s1  }
0xa: {  	[smem:$0x3FAE] =	sst s2  }
0xb: {  	[smem:$0x3FAF] =	sst s3  }
0xc: {  	[smem:$0x3FB0] =	sst s4  }
0xd: {  	[smem:$0x3FB1] =	sst s5  }
0xe: {  	[smem:$0x3FB2] =	sst s6  }
0xf: {  	[smem:$0x3FB3] =	sst s7  }
0x10: {  	[smem:$0x3FB4] =	sst s8  }
0x11: {  	[smem:$0x3FB5] =	sst s9;
	s0 =	simm.s32 @!p0 $0x0  }
0x12: {  	s1 =	sld [smem:$0x3F9B];
	s0 =	simm.s32 @p0 $0x1  }
0x13: {  	[smem:$0x3FB6] =	sst s0;
	s0 =	simm.s32 @!p1 $0x0  }
0x14: {  	s2 =	sld [smem:$0x3F9A];
	s0 =	simm.s32 @p1 $0x1  }
0x15: {  	[smem:$0x3FB7] =	sst s0;
	s0 =	simm.s32 @!p2 $0x0  }
0x16: {  	s3 =	sld [smem:$0x3FDB];
	s0 =	simm.s32 @p2 $0x1  }
0x17: {  	s4 =	simm.s32 $0x1BF5;
	[smem:$0x3FB9] =	sst s0  }
0x18: {  	s0 =	sld [smem:$0x3F9C];
	_ =	swait.ge [sflag:s4], $0x0  }
0x19: {  	s7 =	sld [smem:$0x3F9D]  }
0x1a: {  	s8 =	sadd.s32 $0xFFFFE003, lr  }
0x1b: {  	s9 =	sadd.s32 $0xFFFFFEF7, lr;
	s5 =	simm.s32 $0xFFFFFFFF;
	p2 =	slt.u32 s8, $0xFFFFF086  }
0x1c: {  	p1 =	slt.u32 s9, $0xF7A;
	s5 =	simm.s32 @!p2 $0x0  }
0x1d: {  	s5 =	simm.s32 @p1 $0x1;
	p0 =	seq.s32 s7, s2  }
0x1e: {  	s7 =	smul.u32 @!p0 $0xF7A, s2;
	p2 =	seq.s32 @!p0 s5, $0x0  }
0x1f: {  	s9 =	smul.u32 $0xF7A, s1;
	s8 =	simm.s32 @!p0 $0x1BF5;
	p2 =	por !p2, p0  }
0x20: {  	[sflag:s8] =	ssyncset.s32 @!p0 $0xFFFFF086;
	s6 =	sadd.s32 @!p0 s3, s7;
	s7 =	simm.s32 @!p0 $0x108  }
0x21: {  	s3 =	sadd.s32 s3, s9;
	s6 =	sadd.s32 @!p0 $0x88, s6;
	s7 =	simm.s32 @p2 $0x1082  }
0x22: {  	[simem:s7], [sflag:s8] =	dma.local @!p0 [hbm:s6], $0xF7A  }
0x23: {  	s9 =	sor.u32 $0xD0000000, s2;
	s6 =	simm.s32 $0x108;
	_ =	swait.ge @!p0 [sflag:s8], $0x0  }
0x24: {  	s3 =	sadd.s32 $0x88, s3;
	s6 =	simm.s32 @!p1 $0x1082;
	[sflag:s4] =	ssyncset.s32 $0xFFFFF086  }
0x25: {  	[simem:s6], [sflag:s4] =	dma.local [hbm:s3], $0xF7A  }
0x26: {  	[smem:$0x3F9D] =	sst s1;
	(tag) =	ssettag s2;
	_ =	strace s9  }
0x27: {  	s1 =	sld [smem:$0x3FAD]  }
0x28: {  	s2 =	sld [smem:$0x3FAE]  }
0x29: {  	s4 =	sld [smem:$0x3FB0]  }
0x2a: {  	p0 =	seq.s32 s5, $0x0;
	s5 =	sld [smem:$0x3FB1]  }
0x2b: {  	s6 =	sld [smem:$0x3FB2]  }
0x2c: {  	s7 =	sld [smem:$0x3FB3]  }
0x2d: {  	s3 =	simm.s32 $0x108;
	s8 =	sld [smem:$0x3FB4]  }
0x2e: {  	s3 =	simm.s32 @!p0 $0x1082;
	s9 =	sld [smem:$0x3FB5]  }
0x2f: {  	lr =	sadd.s32 s0, s3;
	s0 =	sld [smem:$0x3FAC]  }
0x30: {  	s3 =	sld [smem:$0x3FAF]  }
0x31: {  	[smem:$0x3FB8] =	sst s10  }
0x32: {  	s10 =	sld [smem:$0x3FB6];
	_ =	sdelay $0x3  }
0x33: {  	p0 =	seq.s32 s10, $0x1;
	s10 =	sld [smem:$0x3FB8];
	_ =	sdelay $0x3  }
0x34: {  	[smem:$0x3FB8] =	sst s10  }
0x35: {  	s10 =	sld [smem:$0x3FB7];
	_ =	sdelay $0x3  }
0x36: {  	p1 =	seq.s32 s10, $0x1;
	s10 =	sld [smem:$0x3FB8];
	_ =	sdelay $0x3  }
0x37: {  	[smem:$0x3FB8] =	sst s10  }
0x38: {  	s10 =	sld [smem:$0x3FB9]  }
0x39: {  	_ = 	snop;
	(pc) =	sbr.ind lr, $3  }
0x3a: {  	_ = 	snop  }
0x3b: {  	_ = 	snop  }
0x3c: {  	p2 =	seq.s32 s10, $0x1;
	s10 =	sld [smem:$0x3FB8]  }
0x3d: {  	_ =	shalt  }
0x3e: {  	_ =	shalt  }
0x3f: {  	_ =	shalt  }
0x40: {  	_ =	shalt  }
0x41: {  	_ =	shalt  }
0x42: {  	_ =	shalt  }
0x43: {  	_ =	shalt  }
0x44: {  	_ =	shalt  }
0x45: {  	_ =	shalt  }
0x46: {  	_ =	shalt  }
0x47: {  	_ =	shalt  }
0x48: {  	_ =	shalt  }
0x49: {  	_ =	shalt  }
0x4a: {  	_ =	shalt  }
0x4b: {  	_ =	shalt  }
0x4c: {  	_ =	shalt  }
0x4d: {  	_ =	shalt  }
0x4e: {  	_ =	shalt  }
0x4f: {  	_ =	shalt  }
0x50: {  	_ =	shalt  }
0x51: {  	_ =	shalt  }
0x52: {  	_ =	shalt  }
0x53: {  	_ =	shalt  }
0x54: {  	_ =	shalt  }
0x55: {  	_ =	shalt  }
0x56: {  	_ =	shalt  }
0x57: {  	_ =	shalt  }
0x58: {  	_ =	shalt  }
0x59: {  	_ =	shalt  }
0x5a: {  	_ =	shalt  }
0x5b: {  	_ =	shalt  }
0x5c: {  	_ =	shalt  }
0x5d: {  	_ =	shalt  }
0x5e: {  	_ =	shalt  }
0x5f: {  	_ =	shalt  }
0x60: {  	_ =	shalt  }
0x61: {  	_ =	shalt  }
0x62: {  	_ =	shalt  }
0x63: {  	_ =	shalt  }
0x64: {  	_ =	shalt  }
0x65: {  	_ =	shalt  }
0x66: {  	_ =	shalt  }
0x67: {  	_ =	shalt  }
0x68: {  	_ =	shalt  }
0x69: {  	_ =	shalt  }
0x6a: {  	_ =	shalt  }
0x6b: {  	_ =	shalt  }
0x6c: {  	_ =	shalt  }
0x6d: {  	_ =	shalt  }
0x6e: {  	_ =	shalt  }
0x6f: {  	_ =	shalt  }
0x70: {  	_ =	shalt  }
0x71: {  	_ =	shalt  }
0x72: {  	_ =	shalt  }
0x73: {  	_ =	shalt  }
0x74: {  	_ =	shalt  }
0x75: {  	_ =	shalt  }
0x76: {  	_ =	shalt  }
0x77: {  	_ =	shalt  }
0x78: {  	_ =	shalt  }
0x79: {  	_ =	shalt  }
0x7a: {  	_ =	shalt  }
0x7b: {  	_ =	shalt  }
0x7c: {  	_ =	shalt  }
0x7d: {  	_ =	shalt  }
0x7e: {  	_ =	shalt  }
0x7f: {  	_ =	shalt  }
0x80: {  	_ =	shalt  }
0x81: {  	_ =	shalt  }
0x82: {  	_ =	shalt  }
0x83: {  	_ =	shalt  }
0x84: {  	_ =	shalt  }
0x85: {  	_ =	shalt  }
0x86: {  	_ =	shalt  }
0x87: {  	_ =	shalt  }
.Lfunc_end0:
.L_simem_size_0:
called_computation_lowered:
.L_overlay_start_0:
0x88: {  	s2 =	sld [smem:$0x3FD9]  }
0x89: {  	s3 =	sld [smem:$0x3FFE];
	_ =	sdelay $0x1  }
0x8a: {  	s1 =	srdreg.scid  }
0x8b: {  	s0 =	sand.u32 $0x1, s1  }
0x8c: {  	s17 =	sshll.u32 s0, $0xA;
	s2 =	sadd.s32 s3, s2  }
0x8d: {  	s2 =	sadd.s32 s2, s17  }
0x8e: {  	[smem:$0x3FC4] =	sst s2  }
0x8f: {  	_ = 	snop  }
0x90: {  	s2 =	sld [smem:$0x3FD0];
	(tm) =	ssettm $0x1  }
0x91: {  	s18 =	sld [smem:$0x3FFB];
	_ =	sdelay $0x3  }
0x92: {  	_ =	strace s18  }
0x93: {  	s3 =	sld [smem:$0x3FFC];
	_ =	sdelay $0x3  }
0x94: {  	_ =	strace s3  }
0x95: {  	s3 =	sld [smem:$0x3FFD];
	_ =	sdelay $0x3  }
0x96: {  	_ =	strace s3  }
0x97: {  	_ =	strace $0x8FFFFFFF  }
0x98: {  	s19 =	sld [smem:$0x3FDB];
	_ =	sdelay $0x1  }
0x99: {  	s4 =	simm.s32 $_scs_section_size  }
0x9a: {  	s5 =	simm.s32 $_size__tile_overlayer_lowered;
	s6 =	simm.s32 $_tile_overlayer_lowered  }
0x9b: {  	s22 =	simm.s32 $0x1BFF;
	s21 =	sshll.u32 s6, $0x1;
	s3 =	sadd.s32 s4, s19  }
0x9c: {  	s7 =	simm.s32 $0x0;
	s20 =	sshll.u32 s5, $0x1;
	s5 =	sadd.s32 s21, s3  }
0x9d: {  	[timem:s7], [sflag:s22] =	dma.local [hbm:s5], s20  }
0x9e: {  	_ =	swait.ge [sflag:s22], s20  }
0x9f: {  	s4 =	ssub.s32 $0x0, s20;
	[sflag:s22] =	ssyncset.done $0x0  }
0xa0: {  	[sflag:s22] =	ssyncadd.s32 s4;
	_ =	sdelay $0x1  }
0xa1: {  	s23 =	simm.s32 $0x1B8B  }
0xa2: {  	_ =	swait.ge [sflag:s23], $0x1  }
0xa3: {  	[sflag:s23] =	ssyncset.done $0x0  }
0xa4: {  	s25 =	simm.s32 $0x1B8E;
	s24 =	sld [smem:$0x3FFE];
	[sflag:s23] =	ssyncadd.s32 $0xFFFFFFFF  }
0xa5: {  	s26 =	simm.s32 $execute0_lowered;
	[smem:$0x3FD2] =	sst s25  }
0xa6: {  	s5 =	sshll.u32 s26, $0x1;
	_ =	strace $0x80000046;
	[dreg:$0x1] =	wrdreg $0xFFFFFFFF  }
0xa7: {  	s28 =	simm.s32 $_size_execute0_lowered;
	s3 =	sadd.s32 s3, s5;
	[dreg:$0x0] =	wrdreg $0x0  }
0xa8: {  	s5 =	sshll.u32 s28, $0x1;
	[dreg:$0x2] =	wrdreg s3  }
0xa9: {  	[dreg:$0x3] =	wrdreg s5  }
0xaa: {  	[dreg:$0x4] =	wrdreg $0xC0  }
0xab: {  	_ =	task [dreg:s7], $0x5FFFF  }
0xac: {  	[dreg:$0x1] =	wrdreg $0xFFFFFFFF  }
0xad: {  	[dreg:$0x0] =	wrdreg $0x60  }
0xae: {  	[dreg:$0x2] =	wrdreg s24  }
0xaf: {  	[dreg:$0x3] =	wrdreg s2  }
0xb0: {  	[dreg:$0x4] =	wrdreg $0x9  }
0xb1: {  	_ =	task.clear_ibuf [dreg:s7], $0x5FFFF;
	_ =	strace $0x90000046  }
0xb2: {  	s29 =	simm.s32 $0x9;
	_ =	strace $0x80000048  }
0xb3: {  	_ =	swait.ge [sflag:s29], $0x1  }
0xb4: {  	[sflag:s29] =	ssyncadd.s32 $0xFFFFFFFF  }
0xb5: {  	_ =	strace $0x90000048  }
0xb6: {  	_ =	sfence  }
0xb7: {  	s30 =	sld [smem:$0x0];
	_ =	sdelay $0x2  }
0xb8: {  	s31 =	sshll.u32 s1, $0xD;
	s1 =	sshrl.u32 s1, $0x2  }
0xb9: {  	s3 =	sand.u32 $0x4000, s31;
	s1 =	sadd.s32 s1, s30  }
0xba: {  	s0 =	sor.u32 s3, s0;
	s1 =	sshll.u32 s1, $0x11  }
0xbb: {  	s0 =	sor.u32 s1, s0  }
0xbc: {  	s0 =	sadd.s32 $0x8F2B, s0  }
0xbd: {  	[sflag:s0] =	ssyncadd.remote.s32 $0x1  }
0xbe: {  	_ =	sfence.sel $0xFFFF  }
0xbf: {  	[dreg:$0x0] =	wrdreg $0xFFFFFFFF;
	(pc) =	sbr.abs _section_cstart, $3  }
0xc0: {  	[dreg:$0x1] =	wrdreg $0xFFFFFFFF  }
0xc1: {  	_ =	task.clear_ibuf [dreg:s7], $0x2FFFF;
	_ =	strace $0x9FFFFFFF  }
0xc2: {  	(tm) =	ssettm $0x7FFFFFFF  }
0xc3: {  	_ =	shalt  }
tec
execute0_lowered:
.L_overlay_start_1:
0x0: {  	(tag) =	ssettag $0x1  }
0x1: {  	s4 =	rddreg [dreg:$0x0]  }
0x2: {  	s5 =	rddreg [dreg:$0x1]  }
0x3: {  	s0 =	rddreg [dreg:$0x2];
	s2 =	simm.s32 $0x0;
	s1 =	stileid.u32  }
0x4: {  	s3 =	srdreg.scid;
	[smem:$0x7FF] =	sst s2;
	s6 =	sshll.u32 s1, $0x1  }
0x5: {  	s7 =	sand.u32 $0x1, s3;
	s3 =	sadd.s32 $0x187800, s4;
	s8 =	sadd.s32 $0x2600, s4  }
0x6: {  	s9 =	sadd.s32 $0x1E00, s4;
	s10 =	sadd.s32 $0x1600, s4;
	s6 =	sand.u32 $0x2, s6  }
0x7: {  	s4 =	sadd.s32 $0xE00, s4;
	s30 =	sshrl.u32 s1, $0x1;
	s6 =	sor.u32 s7, s6  }
0x8: {  	_ =	strace $0x80000047;
	s7 =	ssub.s32 $0x2, s7;
	p0 =	sgt.s32 s6, $0x1  }
0x9: {  	s12 =	sshll.u32 s30, $0x8;
	s11 =	sshrl.u32 s7, $0x1;
	p1 =	seq.s32 @p0 s6, $0x2  }
0xa: {  	s31 =	sshll.u32 s30, $0xF;
	s7 =	ssub.s32 s7, s11;
	p1 =	por !p1, !p0  }
0xb: {  	s11 =	simm.s32 $0x80;
	s10 =	smov.u32 @p1 s4;
	p1 =	seq.s32 @!p0 s6, $0x0  }
0xc: {  	s6 =	sshll.u32 s6, $0x2;
	s4 =	sadd.s32 s5, s31;
	p1 =	por !p1, p0  }
0xd: {  	s5 =	smax.u32 s7, $0x1;
	s7 =	simm.s32 $0x2;
	s8 =	smov.u32 @p1 s9  }
0xe: {  	s4 =	sadd.s32 s6, s4;
	s9 =	simm.s32 $0x1;
	s8 =	smov.u32 @p0 s10  }
0xf: {  	s10 =	simm.s32 $0x20;
	s6 =	sadd.s32 s8, s12;
	s8 =	simm.s32 $0x800  }
.LBB2_1:
0x10: {  	[tilespmem:s2], [sflag:$0x2] =	stream.linear.gather [hbm4b:s6+s2], $0x800, $0x38;
	[tilespmem:$0x10800] =	vst v63  }
0x11: {  	_ =	swait.ge [sflag:s7], $0x800  }
0x12: {  	[sflag:s7] =	ssyncset.done $0x0  }
0x13: {  	[sflag:s7] =	ssyncadd.s32 $0xFFFFF800  }
0x14: {  	[tilespmem:s8], [sflag:$0x1] =	stream.indirect.gather [hbm4b:s3+s8], $0x20, s2, s8, $0xb8;
	[tilespmem:$0x10800] =	vst v63  }
0x15: {  	s5 =	sadd.s32 $0xFFFFFFFF, s5;
	_ =	swait.ge [sflag:s9], $0x10000  }
0x16: {  	p0 =	sne.s32 s5, $0x0;
	[sflag:s9] =	ssyncset.done $0x0  }
.Ltmp0:
0x17: {  	[sflag:s9] =	ssyncadd.s32 $0xFFFF0000;
	(pc) =	sbr.rel @p0 .LBB2_1-.Ltmp0, $4  }
0x18: {  	[hbm4b:s4+s10] =	stream.strided.scatter [tilespmem:s8], [sflag:$0x2], $0x10000, s11, s10, $0x38;
	[tilespmem:$0x10800] =	vst v63  }
0x19: {  	_ =	swait.ge [sflag:s7], $0x10000  }
0x1a: {  	[sflag:s7] =	ssyncset.done $0x0  }
0x1b: {  	[sflag:s7] =	ssyncadd.s32 $0xFFFF0000  }
0x1c: {  	_ =	sfence.sel $0x180000  }
0x1d: {  	[bflag:$0x0] =	sbarrier.arrive $0xFFFF  }
0x1e: {  	p0 =	sne.s32 s1, $0x0;
	_ =	strace $0x90000047  }
0x1f: {  	s0 =	sadd.s32 @!p0 $0x100000, s0;
	[bflag:$0x2] =	sbarrier.arrive $0xFFFF  }
0x20: {  	[sflag:s0] =	ssyncadd.tile.s32 @!p0 $0x1;
	_ =	shalt  }
.Lfunc_end2:
_tile_overlayer_lowered:
.L_overlay_start_2:
0x21: {  	(tag) =	ssettag $0x2  }
0x22: {  	s0 =	rddreg [dreg:$0x0];
	s2 =	stileid.u32  }
0x23: {  	s1 =	rddreg [dreg:$0x1];
	p0 =	sne.s32 s2, $0x0  }
0x24: {  	s3 =	rddreg [dreg:$0x2];
	[bflag:$0x3] =	sbarrier.arrive $0xFFFF;
	s2 =	simm.s32 @!p0 $0x1C02  }
0x25: {  	[timem:s3], [sflag:s2] =	dma.local @!p0 [hbm:s0], s1  }
0x26: {  	s0 =	simm.s32 @!p0 $0x2  }
0x27: {  	_ =	swait.ge @!p0 [sflag:s0], s1  }
0x28: {  	s1 =	ssub.s32 @!p0 $0x0, s1;
	[sflag:s0] =	ssyncset.done @!p0 $0x0  }
0x29: {  	[sflag:s0] =	ssyncadd.s32 @!p0 s1  }
0x2a: {  	[bflag:$0x3] =	sbarrier.arrive $0xFFFF  }
0x2b: {  	_ =	shalt  }

</sc_bundles>
